<compile_context>
chip_gen: v7x
topology: tpu7x:2x2x1
jax: 0.10.2.dev20260603
libtpu: 0.0.44.dev20260713+nightly
codegen_flags: <defaults>
</compile_context>

<pallas_src>
import functools

import jax
import jax.numpy as jnp
from jax import lax
from jax.experimental import pallas as pl
from jax.experimental.pallas import tpu as pltpu
from jax.experimental.pallas import tpu_sc as plsc

_CHUNK = 128


def _make_sc_gather(n_tokens: int, d: int, table_rows: int):
    info = plsc.get_sparse_core_info()
    nw = info.num_cores * info.num_subcores
    chunk_rows = n_tokens // _CHUNK
    rows_per_w = chunk_rows // nw
    per_w = rows_per_w * _CHUNK

    mesh = plsc.VectorSubcoreMesh(core_axis_name="c", subcore_axis_name="s")

    @functools.partial(
        pl.kernel,
        mesh=mesh,
        out_type=jax.ShapeDtypeStruct((n_tokens, d), jnp.float32),
        scratch_types=[
            pltpu.VMEM((rows_per_w, _CHUNK), jnp.int32),
            pltpu.VMEM((_CHUNK, d), jnp.float32),
            pltpu.SemaphoreType.DMA,
        ],
    )
    def gather_kernel(idx_hbm, table_hbm, out_hbm, idx_v, rows_v, sem):
        wid = lax.axis_index("s") * info.num_cores + lax.axis_index("c")
        tok_base = wid * per_w
        pltpu.sync_copy(idx_hbm.at[wid], idx_v)

        def body(j, carry):
            pltpu.async_copy(table_hbm.at[idx_v.at[j]], rows_v, sem).wait()
            pltpu.sync_copy(rows_v, out_hbm.at[pl.ds(tok_base + j * _CHUNK, _CHUNK)])
            return carry

        lax.fori_loop(0, rows_per_w, body, 0)

    return gather_kernel


def _tc_body(p_ref, g_ref, tabs_ref, w1_ref, b1_ref, w2_ref, b2_ref,
             gam_ref, bet_ref, o_ref):
    p = p_ref[...]
    vidf = p[:, 0:1]
    catf = p[:, 1:2]
    val = p[:, 2:3]
    iot = lax.broadcasted_iota(jnp.int32, (1, tabs_ref.shape[0]), 1).astype(jnp.float32)
    onehot = (vidf == iot).astype(jnp.float32)
    scal = jnp.dot(onehot, tabs_ref[...],
                   preferred_element_type=jnp.float32)
    vt = scal[:, 0:1]
    mu = scal[:, 1:2]
    sg = scal[:, 2:3]
    mask_num = vt == 0.0
    mask_cat = jnp.logical_and(vt == 1.0, catf >= 0.0)
    v = (val - mu) / (sg + 1e-12)
    h = jnp.maximum(v * w1_ref[...] + b1_ref[...], 0.0)
    e_num = jnp.dot(h, w2_ref[...],
                    preferred_element_type=jnp.float32) + b2_ref[...]
    e = jnp.where(mask_num, e_num, 0.0)
    e = jnp.where(mask_cat, g_ref[...], e)
    m = jnp.mean(e, axis=-1, keepdims=True)
    dev = e - m
    var = jnp.mean(dev * dev, axis=-1, keepdims=True)
    o_ref[...] = dev * lax.rsqrt(var + 1e-5) * gam_ref[...] + bet_ref[...]


def _tc_compute(p, gathered, tabs, w1, b1, w2, b2, gamma, beta, block_r: int):
    n, d = gathered.shape
    grid = (n // block_r,)
    full = lambda shape: pl.BlockSpec(shape, lambda i: (0, 0))
    return pl.pallas_call(
        _tc_body,
        grid=grid,
        in_specs=[
            pl.BlockSpec((block_r, p.shape[1]), lambda i: (i, 0)),
            pl.BlockSpec((block_r, d), lambda i: (i, 0)),
            full(tabs.shape),
            full(w1.shape),
            full(b1.shape),
            full(w2.shape),
            full(b2.shape),
            full(gamma.shape),
            full(beta.shape),
        ],
        out_specs=pl.BlockSpec((block_r, d), lambda i: (i, 0)),
        out_shape=jax.ShapeDtypeStruct((n, d), jnp.float32),
    )(p, gathered, tabs, w1, b1, w2, b2, gamma, beta)


def kernel(variate_ids, value_num, cat_ids, variate_type, numeric_means,
           numeric_stds, W1, b1, W2, b2, cat_table, ln_gamma, ln_beta):
    b, t = variate_ids.shape
    nc, d = cat_table.shape
    n = b * t
    nv = variate_type.shape[0]

    vidf = variate_ids.reshape(n).astype(jnp.float32)
    catf = cat_ids.reshape(n).astype(jnp.float32)
    valf = value_num.reshape(n).astype(jnp.float32)
    zero = jnp.zeros((n,), jnp.float32)
    p = jnp.stack([vidf, catf, valf, zero], axis=-1)

    nvp = 128
    tabs = jnp.zeros((nvp, 8), jnp.float32)
    tabs = tabs.at[:nv, 0].set(variate_type.astype(jnp.float32))
    tabs = tabs.at[:nv, 1].set(numeric_means.astype(jnp.float32))
    tabs = tabs.at[:nv, 2].set(numeric_stds.astype(jnp.float32))

    cat32 = jnp.maximum(cat_ids.reshape(n).astype(jnp.int32), 0)
    info = plsc.get_sparse_core_info()
    nw = info.num_cores * info.num_subcores
    idx3d = cat32.reshape(nw, n // (nw * _CHUNK), _CHUNK)
    gathered = _make_sc_gather(n, d, nc)(idx3d, cat_table)

    out = _tc_compute(
        p, gathered, tabs,
        W1.reshape(1, -1), b1.reshape(1, -1), W2, b2.reshape(1, -1),
        ln_gamma.reshape(1, -1), ln_beta.reshape(1, -1),
        block_r=1024,
    )
    return out.reshape(b, t, d)

# --- scband reference (transcript-rebuilt; emitter-appended) ---
"""Pipeline reference for scband-event-value-embedding-60765197304351 (READ-ONLY COPY).

The authoritative reference and input builder live on the scoring server;
editing this copy changes nothing except your own understanding.
"""

import jax, jax.numpy as jnp
import numpy as np

B, T, D = 4096, 50, 128
NV = 100
NC = 100000


def setup_inputs(seed: int = 0) -> dict:
    key = jax.random.key(seed)
    ks = jax.random.split(key, 8)
    variate_ids = jax.random.randint(ks[0], (B, T), 0, NV, dtype=jnp.int32).astype(jnp.int64)
    value_num = jax.random.normal(ks[1], (B, T), dtype=jnp.float32)
    cat_ids = jax.random.randint(ks[2], (B, T), 0, NC, dtype=jnp.int32).astype(jnp.int64)
    variate_type = jnp.tile(jnp.array([0, 1], dtype=jnp.int64), NV // 2)
    numeric_means = jnp.zeros((NV,), dtype=jnp.float32)
    numeric_stds = jnp.ones((NV,), dtype=jnp.float32)
    W1 = jax.random.normal(ks[3], (1, 64), dtype=jnp.float32) * 0.5
    b1 = jnp.zeros((64,), dtype=jnp.float32)
    W2 = jax.random.normal(ks[4], (64, D), dtype=jnp.float32) * 0.1
    b2 = jnp.zeros((D,), dtype=jnp.float32)
    cat_table = jax.random.normal(ks[5], (NC, D), dtype=jnp.float32) * 0.02
    ln_gamma = jnp.ones((D,), dtype=jnp.float32)
    ln_beta = jnp.zeros((D,), dtype=jnp.float32)
    return {"variate_ids": variate_ids, "value_num": value_num, "cat_ids": cat_ids,
            "variate_type": variate_type, "numeric_means": numeric_means, "numeric_stds": numeric_stds,
            "W1": W1, "b1": b1, "W2": W2, "b2": b2, "cat_table": cat_table,
            "ln_gamma": ln_gamma, "ln_beta": ln_beta}


def reference(variate_ids, value_num, cat_ids, variate_type, numeric_means, numeric_stds,
              W1, b1, W2, b2, cat_table, ln_gamma, ln_beta):
    VAR_TYPE_NUM = 0
    VAR_TYPE_CAT = 1
    var_types = jnp.take(variate_type, variate_ids, axis=0)            # [B, T]
    mask_num = var_types == VAR_TYPE_NUM
    # numeric branch (numeric_mode == 'mlp')
    mu = jnp.take(numeric_means, variate_ids, axis=0)                  # [B, T]
    sigma = jnp.take(numeric_stds, variate_ids, axis=0)                # [B, T]
    v = (value_num - mu) / (sigma + 1e-12)
    v_in = v[..., None]                                                # [B, T, 1]
    h = jnp.maximum(jnp.einsum('bti,io->bto', v_in, W1) + b1, 0.0)     # [B, T, 64]
    e_num_full = jnp.einsum('bth,hd->btd', h, W2) + b2                 # [B, T, D]
    e_value = jnp.where(mask_num[..., None], e_num_full, 0.0)
    # categorical branch (masked_scatter of full-shaped embedding == where)
    mask_cat = (var_types == VAR_TYPE_CAT) & (cat_ids >= 0)
    cat_ids_clamped = jnp.where(cat_ids < 0, 0, cat_ids)
    e_cat_full = jnp.take(cat_table, cat_ids_clamped, axis=0)          # [B, T, D]
    e_value = jnp.where(mask_cat[..., None], e_cat_full, e_value)
    # layernorm over last dim (eps = 1e-5, torch default)
    mean = jnp.mean(e_value, axis=-1, keepdims=True)
    var = jnp.mean((e_value - mean) ** 2, axis=-1, keepdims=True)
    out = (e_value - mean) / jnp.sqrt(var + 1e-5) * ln_gamma + ln_beta
    return out

if __name__ == "__main__":
    import jax
    _d = setup_inputs()
    print(jax.jit(kernel)(*tuple(_d.values())))

</pallas_src>

<mosaic_0001>
#map = affine_map<(d0, d1) -> (0, 0, 0)>
#map1 = affine_map<(d0, d1) -> (0, 0)>
module attributes {stable_mosaic.version = 14 : i64} {
  func.func @gather_kernel(%arg0: i32, %arg1: i32, %arg2: memref<32x50x128xi32, #tpu.memory_space<hbm>>, %arg3: memref<100000x128xf32, #tpu.memory_space<hbm>>, %arg4: memref<204800x128xf32, #tpu.memory_space<hbm>>, %arg5: memref<50x128xi32, #tpu.memory_space<vmem>>, %arg6: memref<128x128xf32, #tpu.memory_space<vmem>>, %arg7: memref<!tpu.dma_semaphore, #tpu.memory_space<semaphore_mem>>) attributes {dimension_semantics = [#tpu.dimension_semantics<core_parallel>, #tpu.dimension_semantics<subcore_parallel>], iteration_bounds = array<i64: 2, 16>, scalar_prefetch = 0 : i64, scratch_operands = 3 : i64, tpu.core_type = #tpu.core_type<sc_vector_subcore>, window_params = [{transform_indices = #map}, {transform_indices = #map1}, {transform_indices = #map1}]} {
    %mul3A = arith.constant 2 : i32
    %mul3A_0 = arith.muli %arg1, %mul3A : i32
    %add3A = arith.addi %mul3A_0, %arg0 : i32
    %mul3A_1 = arith.constant 6400 : i32
    %mul3A_2 = arith.muli %add3A, %mul3A_1 : i32
    "tpu.region"() ({
      %run_scoped3A = tpu.sem_alloc : memref<!tpu.dma_semaphore, #tpu.memory_space<semaphore_mem>>
      %dma_start3A = arith.constant 0 : i32
      %dma_start3A_8 = arith.constant 0 : i32
      %dma_start3A_9 = tpu.memref_slice %arg2[%add3A, %dma_start3A, %dma_start3A_8] : memref<32x50x128xi32, #tpu.memory_space<hbm>> -> memref<1x50x128xi32, #tpu.memory_space<hbm>>
      %dma_start3A_10 = tpu.memref_squeeze %dma_start3A_9 : memref<1x50x128xi32, #tpu.memory_space<hbm>> -> memref<50x128xi32, #tpu.memory_space<hbm>>
      %dma_start3A_11 = arith.constant 0 : i32
      %dma_start3A_12 = arith.constant 0 : i32
      %dma_start3A_13 = tpu.memref_slice %arg2[%add3A, %dma_start3A_11, %dma_start3A_12] : memref<32x50x128xi32, #tpu.memory_space<hbm>> -> memref<1x50x128xi32, #tpu.memory_space<hbm>>
      %dma_start3A_14 = tpu.memref_squeeze %dma_start3A_13 : memref<1x50x128xi32, #tpu.memory_space<hbm>> -> memref<50x128xi32, #tpu.memory_space<hbm>>
      tpu.enqueue_dma source(%dma_start3A_14 : memref<50x128xi32, #tpu.memory_space<hbm>>) target(%arg5 : memref<50x128xi32, #tpu.memory_space<vmem>>) target_semaphore(%run_scoped3A : memref<!tpu.dma_semaphore, #tpu.memory_space<semaphore_mem>>)
      %dma_wait3A = arith.constant 0 : i32
      %dma_wait3A_15 = arith.constant 0 : i32
      %dma_wait3A_16 = tpu.memref_slice %arg2[%add3A, %dma_wait3A, %dma_wait3A_15] : memref<32x50x128xi32, #tpu.memory_space<hbm>> -> memref<1x50x128xi32, #tpu.memory_space<hbm>>
      %dma_wait3A_17 = tpu.memref_squeeze %dma_wait3A_16 : memref<1x50x128xi32, #tpu.memory_space<hbm>> -> memref<50x128xi32, #tpu.memory_space<hbm>>
      %dma_wait3A_18 = arith.constant 0 : i32
      %dma_wait3A_19 = arith.constant 0 : i32
      %dma_wait3A_20 = tpu.memref_slice %arg2[%add3A, %dma_wait3A_18, %dma_wait3A_19] : memref<32x50x128xi32, #tpu.memory_space<hbm>> -> memref<1x50x128xi32, #tpu.memory_space<hbm>>
      %dma_wait3A_21 = tpu.memref_squeeze %dma_wait3A_20 : memref<1x50x128xi32, #tpu.memory_space<hbm>> -> memref<50x128xi32, #tpu.memory_space<hbm>>
      tpu.wait_dma2 semaphore(%run_scoped3A : memref<!tpu.dma_semaphore, #tpu.memory_space<semaphore_mem>>) src(%dma_wait3A_21 : memref<50x128xi32, #tpu.memory_space<hbm>>) dst(%arg5 : memref<50x128xi32, #tpu.memory_space<vmem>>)
      tpu.yield
    }) : () -> ()
    %scan3A = arith.constant 0 : i32
    %scan3A_3 = arith.constant 0 : i32
    %scan3A_4 = arith.constant 50 : i32
    %scan3A_5 = arith.addi %scan3A_3, %scan3A_4 : i32
    %scan3A_6 = arith.constant 1 : i32
    scf.for %scan3A_8 = %scan3A_3 to %scan3A_5 step %scan3A_6  : i32 {
      %dma_start3A = arith.constant 0 : i32
      %dma_start3A_9 = tpu.memref_slice %arg5[%scan3A_8, %dma_start3A] : memref<50x128xi32, #tpu.memory_space<vmem>> -> memref<1x128xi32, #tpu.memory_space<vmem>>
      %dma_start3A_10 = tpu.memref_squeeze %dma_start3A_9 : memref<1x128xi32, #tpu.memory_space<vmem>> -> memref<128xi32, #tpu.memory_space<vmem>>
      %dma_start3A_11 = arith.constant 0 : i32
      %dma_start3A_12 = arith.constant 0 : i32
      %dma_start3A_13 = tpu.memref_slice %arg3[%dma_start3A_11, %dma_start3A_12] : memref<100000x128xf32, #tpu.memory_space<hbm>> -> memref<100000x128xf32, #tpu.memory_space<hbm>>
      tpu.enqueue_indirect_dma source(%dma_start3A_13 : memref<100000x128xf32, #tpu.memory_space<hbm>>) target(%arg6 : memref<128x128xf32, #tpu.memory_space<vmem>>) offsets(%dma_start3A_10 : memref<128xi32, #tpu.memory_space<vmem>>) semaphore(%arg7 : memref<!tpu.dma_semaphore, #tpu.memory_space<semaphore_mem>>)
      %dma_wait3A = arith.constant 0 : i32
      %dma_wait3A_14 = tpu.memref_slice %arg5[%scan3A_8, %dma_wait3A] : memref<50x128xi32, #tpu.memory_space<vmem>> -> memref<1x128xi32, #tpu.memory_space<vmem>>
      %dma_wait3A_15 = tpu.memref_squeeze %dma_wait3A_14 : memref<1x128xi32, #tpu.memory_space<vmem>> -> memref<128xi32, #tpu.memory_space<vmem>>
      %dma_wait3A_16 = arith.constant 0 : i32
      %dma_wait3A_17 = arith.constant 0 : i32
      %dma_wait3A_18 = tpu.memref_slice %arg3[%dma_wait3A_16, %dma_wait3A_17] : memref<100000x128xf32, #tpu.memory_space<hbm>> -> memref<100000x128xf32, #tpu.memory_space<hbm>>
      tpu.wait_indirect_dma semaphore(%arg7 : memref<!tpu.dma_semaphore, #tpu.memory_space<semaphore_mem>>) src(%dma_wait3A_18 : memref<100000x128xf32, #tpu.memory_space<hbm>>) dst(%arg6 : memref<128x128xf32, #tpu.memory_space<vmem>>)
      %mul3A_19 = arith.constant 128 : i32
      %mul3A_20 = arith.muli %scan3A_8, %mul3A_19 : i32
      %add3A_21 = arith.addi %mul3A_2, %mul3A_20 : i32
      "tpu.region"() ({
        %run_scoped3A = tpu.sem_alloc : memref<!tpu.dma_semaphore, #tpu.memory_space<semaphore_mem>>
        %dma_start3A_22 = arith.constant 0 : i32
        %dma_start3A_23 = tpu.memref_slice %arg4[%add3A_21, %dma_start3A_22] : memref<204800x128xf32, #tpu.memory_space<hbm>> -> memref<128x128xf32, #tpu.memory_space<hbm>>
        %dma_start3A_24 = arith.constant 0 : i32
        %dma_start3A_25 = tpu.memref_slice %arg4[%add3A_21, %dma_start3A_24] : memref<204800x128xf32, #tpu.memory_space<hbm>> -> memref<128x128xf32, #tpu.memory_space<hbm>>
        tpu.enqueue_dma source(%arg6 : memref<128x128xf32, #tpu.memory_space<vmem>>) target(%dma_start3A_25 : memref<128x128xf32, #tpu.memory_space<hbm>>) target_semaphore(%run_scoped3A : memref<!tpu.dma_semaphore, #tpu.memory_space<semaphore_mem>>)
        %dma_wait3A_26 = arith.constant 0 : i32
        %dma_wait3A_27 = tpu.memref_slice %arg4[%add3A_21, %dma_wait3A_26] : memref<204800x128xf32, #tpu.memory_space<hbm>> -> memref<128x128xf32, #tpu.memory_space<hbm>>
        %dma_wait3A_28 = arith.constant 0 : i32
        %dma_wait3A_29 = tpu.memref_slice %arg4[%add3A_21, %dma_wait3A_28] : memref<204800x128xf32, #tpu.memory_space<hbm>> -> memref<128x128xf32, #tpu.memory_space<hbm>>
        tpu.wait_dma2 semaphore(%run_scoped3A : memref<!tpu.dma_semaphore, #tpu.memory_space<semaphore_mem>>) src(%arg6 : memref<128x128xf32, #tpu.memory_space<vmem>>) dst(%dma_wait3A_29 : memref<128x128xf32, #tpu.memory_space<hbm>>)
        tpu.yield
      }) : () -> ()
    }
    %scan3A_7 = arith.constant 50 : i32
    return
  }
}

module attributes {stable_mosaic.version = 14 : i64} {
  func.func @_tc_body(%arg0: i32, %arg1: memref<1024x4xf32, #tpu.memory_space<vmem>>, %arg2: memref<1024x128xf32, #tpu.memory_space<vmem>>, %arg3: memref<128x8xf32, #tpu.memory_space<vmem>>, %arg4: memref<1x64xf32, #tpu.memory_space<vmem>>, %arg5: memref<1x64xf32, #tpu.memory_space<vmem>>, %arg6: memref<64x128xf32, #tpu.memory_space<vmem>>, %arg7: memref<1x128xf32, #tpu.memory_space<vmem>>, %arg8: memref<1x128xf32, #tpu.memory_space<vmem>>, %arg9: memref<1x128xf32, #tpu.memory_space<vmem>>, %arg10: memref<1024x128xf32, #tpu.memory_space<vmem>>) attributes {dimension_semantics = [#tpu.dimension_semantics<arbitrary>], iteration_bounds = array<i64: 200>, scalar_prefetch = 0 : i64, scratch_operands = 0 : i64, tpu.core_type = #tpu.core_type<tc>, window_params = [{transform_indices = @transform_0, window_bounds = array<i64: 1024, 4>}, {transform_indices = @transform_1, window_bounds = array<i64: 1024, 128>}, {pipeline_mode = #tpu.pipeline_mode<synchronous>, transform_indices = @transform_2, window_bounds = array<i64: 128, 8>}, {pipeline_mode = #tpu.pipeline_mode<synchronous>, transform_indices = @transform_3, window_bounds = array<i64: 1, 64>}, {pipeline_mode = #tpu.pipeline_mode<synchronous>, transform_indices = @transform_4, window_bounds = array<i64: 1, 64>}, {pipeline_mode = #tpu.pipeline_mode<synchronous>, transform_indices = @transform_5, window_bounds = array<i64: 64, 128>}, {pipeline_mode = #tpu.pipeline_mode<synchronous>, transform_indices = @transform_6, window_bounds = array<i64: 1, 128>}, {pipeline_mode = #tpu.pipeline_mode<synchronous>, transform_indices = @transform_7, window_bounds = array<i64: 1, 128>}, {pipeline_mode = #tpu.pipeline_mode<synchronous>, transform_indices = @transform_8, window_bounds = array<i64: 1, 128>}, {transform_indices = @transform_9, window_bounds = array<i64: 1024, 128>}]} {
    %get3A = arith.constant 0 : index
    %get3A_0 = arith.constant 0 : index
    %get3A_1 = vector.load %arg1[%get3A, %get3A_0] : memref<1024x4xf32, #tpu.memory_space<vmem>>, vector<1024x4xf32>
    %slice3A = vector.extract_strided_slice %get3A_1 {offsets = [0, 0], sizes = [1024, 1], strides = [1, 1]} : vector<1024x4xf32> to vector<1024x1xf32>
    %slice3A_2 = vector.extract_strided_slice %get3A_1 {offsets = [0, 1], sizes = [1024, 1], strides = [1, 1]} : vector<1024x4xf32> to vector<1024x1xf32>
    %slice3A_3 = vector.extract_strided_slice %get3A_1 {offsets = [0, 2], sizes = [1024, 1], strides = [1, 1]} : vector<1024x4xf32> to vector<1024x1xf32>
    %iota3A = tpu.iota {dimensions = array<i32: 1>} : vector<1x128xi32>
    %convert_element_type3A = arith.sitofp %iota3A : vector<1x128xi32> to vector<1x128xf32>
    %eq3A = vector.broadcast %slice3A : vector<1024x1xf32> to vector<1024x128xf32>
    %eq3A_4 = vector.broadcast %convert_element_type3A : vector<1x128xf32> to vector<1024x128xf32>
    %eq3A_5 = arith.cmpf oeq, %eq3A, %eq3A_4 : vector<1024x128xf32>
    %convert_element_type3A_6 = arith.extui %eq3A_5 : vector<1024x128xi1> to vector<1024x128xi32>
    %convert_element_type3A_7 = arith.sitofp %convert_element_type3A_6 : vector<1024x128xi32> to vector<1024x128xf32>
    %get3A_8 = arith.constant 0 : index
    %get3A_9 = arith.constant 0 : index
    %get3A_10 = vector.load %arg3[%get3A_8, %get3A_9] : memref<128x8xf32, #tpu.memory_space<vmem>>, vector<128x8xf32>
    %dot_general3A = arith.constant dense<0.000000e+00> : vector<1024x8xf32>
    %dot_general3A_11 = tpu.matmul %convert_element_type3A_7, %get3A_10, %dot_general3A {dimension_numbers = #tpu.dot_dimension_numbers<[1], [0], [0], [1], [0, 0, 1, 1], [], []>, transpose_lhs_hint = false} : vector<1024x128xf32>, vector<128x8xf32>, vector<1024x8xf32> -> vector<1024x8xf32>
    %slice3A_12 = vector.extract_strided_slice %dot_general3A_11 {offsets = [0, 0], sizes = [1024, 1], strides = [1, 1]} : vector<1024x8xf32> to vector<1024x1xf32>
    %slice3A_13 = vector.extract_strided_slice %dot_general3A_11 {offsets = [0, 1], sizes = [1024, 1], strides = [1, 1]} : vector<1024x8xf32> to vector<1024x1xf32>
    %slice3A_14 = vector.extract_strided_slice %dot_general3A_11 {offsets = [0, 2], sizes = [1024, 1], strides = [1, 1]} : vector<1024x8xf32> to vector<1024x1xf32>
    %eq3A_15 = arith.constant 0.000000e+00 : f32
    %eq3A_16 = vector.broadcast %eq3A_15 : f32 to vector<1024x1xf32>
    %eq3A_17 = arith.cmpf oeq, %slice3A_12, %eq3A_16 : vector<1024x1xf32>
    %eq3A_18 = arith.constant 1.000000e+00 : f32
    %eq3A_19 = vector.broadcast %eq3A_18 : f32 to vector<1024x1xf32>
    %eq3A_20 = arith.cmpf oeq, %slice3A_12, %eq3A_19 : vector<1024x1xf32>
    %ge3A = arith.constant 0.000000e+00 : f32
    %ge3A_21 = vector.broadcast %ge3A : f32 to vector<1024x1xf32>
    %ge3A_22 = arith.cmpf oge, %slice3A_2, %ge3A_21 : vector<1024x1xf32>
    %and3A = arith.andi %eq3A_20, %ge3A_22 : vector<1024x1xi1>
    %sub3A = arith.subf %slice3A_3, %slice3A_13 : vector<1024x1xf32>
    %add3A = arith.constant 9.99999996E-13 : f32
    %add3A_23 = vector.broadcast %add3A : f32 to vector<1024x1xf32>
    %add3A_24 = arith.addf %slice3A_14, %add3A_23 : vector<1024x1xf32>
    %div3A = arith.divf %sub3A, %add3A_24 : vector<1024x1xf32>
    %get3A_25 = arith.constant 0 : index
    %get3A_26 = arith.constant 0 : index
    %get3A_27 = vector.load %arg4[%get3A_25, %get3A_26] : memref<1x64xf32, #tpu.memory_space<vmem>>, vector<1x64xf32>
    %mul3A = vector.broadcast %div3A : vector<1024x1xf32> to vector<1024x64xf32>
    %mul3A_28 = vector.broadcast %get3A_27 : vector<1x64xf32> to vector<1024x64xf32>
    %mul3A_29 = arith.mulf %mul3A, %mul3A_28 : vector<1024x64xf32>
    %get3A_30 = arith.constant 0 : index
    %get3A_31 = arith.constant 0 : index
    %get3A_32 = vector.load %arg5[%get3A_30, %get3A_31] : memref<1x64xf32, #tpu.memory_space<vmem>>, vector<1x64xf32>
    %add3A_33 = vector.broadcast %get3A_32 : vector<1x64xf32> to vector<1024x64xf32>
    %add3A_34 = arith.addf %mul3A_29, %add3A_33 : vector<1024x64xf32>
    %max3A = arith.constant 0.000000e+00 : f32
    %max3A_35 = vector.broadcast %max3A : f32 to vector<1024x64xf32>
    %max3A_36 = arith.maximumf %add3A_34, %max3A_35 : vector<1024x64xf32>
    %get3A_37 = arith.constant 0 : index
    %get3A_38 = arith.constant 0 : index
    %get3A_39 = vector.load %arg6[%get3A_37, %get3A_38] : memref<64x128xf32, #tpu.memory_space<vmem>>, vector<64x128xf32>
    %dot_general3A_40 = arith.constant dense<0.000000e+00> : vector<1024x128xf32>
    %dot_general3A_41 = tpu.matmul %max3A_36, %get3A_39, %dot_general3A_40 {dimension_numbers = #tpu.dot_dimension_numbers<[1], [0], [0], [1], [0, 0, 1, 1], [], []>, transpose_lhs_hint = false} : vector<1024x64xf32>, vector<64x128xf32>, vector<1024x128xf32> -> vector<1024x128xf32>
    %get3A_42 = arith.constant 0 : index
    %get3A_43 = arith.constant 0 : index
    %get3A_44 = vector.load %arg7[%get3A_42, %get3A_43] : memref<1x128xf32, #tpu.memory_space<vmem>>, vector<1x128xf32>
    %add3A_45 = vector.broadcast %get3A_44 : vector<1x128xf32> to vector<1024x128xf32>
    %add3A_46 = arith.addf %dot_general3A_41, %add3A_45 : vector<1024x128xf32>
    %jit3A = arith.constant 0.000000e+00 : f32
    %broadcast_in_dim3A = vector.shape_cast %eq3A_17 : vector<1024x1xi1> to vector<1024x1xi1>
    %broadcast_in_dim3A_47 = vector.broadcast %broadcast_in_dim3A : vector<1024x1xi1> to vector<1024x128xi1>
    %broadcast_in_dim3A_48 = vector.broadcast %jit3A : f32 to vector<1024x128xf32>
    %select_n3A = arith.select %broadcast_in_dim3A_47, %add3A_46, %broadcast_in_dim3A_48 : vector<1024x128xi1>, vector<1024x128xf32>
    %get3A_49 = arith.constant 0 : index
    %get3A_50 = arith.constant 0 : index
    %get3A_51 = vector.load %arg2[%get3A_49, %get3A_50] : memref<1024x128xf32, #tpu.memory_space<vmem>>, vector<1024x128xf32>
    %broadcast_in_dim3A_52 = vector.shape_cast %and3A : vector<1024x1xi1> to vector<1024x1xi1>
    %broadcast_in_dim3A_53 = vector.broadcast %broadcast_in_dim3A_52 : vector<1024x1xi1> to vector<1024x128xi1>
    %select_n3A_54 = arith.select %broadcast_in_dim3A_53, %get3A_51, %select_n3A : vector<1024x128xi1>, vector<1024x128xf32>
    %reduce_sum3A = arith.constant dense<0.000000e+00> : vector<1024xf32>
    %reduce_sum3A_55 = vector.multi_reduction <add>, %select_n3A_54, %reduce_sum3A [1] : vector<1024x128xf32> to vector<1024xf32>
    %broadcast_in_dim3A_56 = vector.shape_cast %reduce_sum3A_55 : vector<1024xf32> to vector<1024x1xf32>
    %div3A_57 = arith.constant 1.280000e+02 : f32
    %div3A_58 = vector.broadcast %div3A_57 : f32 to vector<1024x1xf32>
    %div3A_59 = arith.divf %broadcast_in_dim3A_56, %div3A_58 : vector<1024x1xf32>
    %sub3A_60 = vector.broadcast %div3A_59 : vector<1024x1xf32> to vector<1024x128xf32>
    %sub3A_61 = arith.subf %select_n3A_54, %sub3A_60 : vector<1024x128xf32>
    %mul3A_62 = arith.mulf %sub3A_61, %sub3A_61 : vector<1024x128xf32>
    %reduce_sum3A_63 = arith.constant dense<0.000000e+00> : vector<1024xf32>
    %reduce_sum3A_64 = vector.multi_reduction <add>, %mul3A_62, %reduce_sum3A_63 [1] : vector<1024x128xf32> to vector<1024xf32>
    %broadcast_in_dim3A_65 = vector.shape_cast %reduce_sum3A_64 : vector<1024xf32> to vector<1024x1xf32>
    %div3A_66 = arith.constant 1.280000e+02 : f32
    %div3A_67 = vector.broadcast %div3A_66 : f32 to vector<1024x1xf32>
    %div3A_68 = arith.divf %broadcast_in_dim3A_65, %div3A_67 : vector<1024x1xf32>
    %add3A_69 = arith.constant 9.99999974E-6 : f32
    %add3A_70 = vector.broadcast %add3A_69 : f32 to vector<1024x1xf32>
    %add3A_71 = arith.addf %div3A_68, %add3A_70 : vector<1024x1xf32>
    %rsqrt3A = math.rsqrt %add3A_71 : vector<1024x1xf32>
    %mul3A_72 = vector.broadcast %rsqrt3A : vector<1024x1xf32> to vector<1024x128xf32>
    %mul3A_73 = arith.mulf %sub3A_61, %mul3A_72 : vector<1024x128xf32>
    %get3A_74 = arith.constant 0 : index
    %get3A_75 = arith.constant 0 : index
    %get3A_76 = vector.load %arg8[%get3A_74, %get3A_75] : memref<1x128xf32, #tpu.memory_space<vmem>>, vector<1x128xf32>
    %mul3A_77 = vector.broadcast %get3A_76 : vector<1x128xf32> to vector<1024x128xf32>
    %mul3A_78 = arith.mulf %mul3A_73, %mul3A_77 : vector<1024x128xf32>
    %get3A_79 = arith.constant 0 : index
    %get3A_80 = arith.constant 0 : index
    %get3A_81 = vector.load %arg9[%get3A_79, %get3A_80] : memref<1x128xf32, #tpu.memory_space<vmem>>, vector<1x128xf32>
    %add3A_82 = vector.broadcast %get3A_81 : vector<1x128xf32> to vector<1024x128xf32>
    %add3A_83 = arith.addf %mul3A_78, %add3A_82 : vector<1024x128xf32>
    %swap3A = arith.constant 0 : index
    %swap3A_84 = arith.constant 0 : index
    %swap3A_85 = vector.load %arg10[%swap3A, %swap3A_84] : memref<1024x128xf32, #tpu.memory_space<vmem>>, vector<1024x128xf32>
    tpu.vector_store %arg10[%swap3A, %swap3A_84], %add3A_83 {strides = array<i32>} : memref<1024x128xf32, #tpu.memory_space<vmem>>, vector<1024x128xf32>,
    return
  }
  func.func @transform_0(%arg0: i32) -> (i32, i32) {
    %c0_i32 = arith.constant 0 : i32
    %c0_i32_0 = arith.constant 0 : i32
    return %arg0, %c0_i32 : i32, i32
  }
  func.func @transform_1(%arg0: i32) -> (i32, i32) {
    %c0_i32 = arith.constant 0 : i32
    %c0_i32_0 = arith.constant 0 : i32
    return %arg0, %c0_i32 : i32, i32
  }
  func.func @transform_2(%arg0: i32) -> (i32, i32) {
    %c0_i32 = arith.constant 0 : i32
    %c0_i32_0 = arith.constant 0 : i32
    %c0_i32_1 = arith.constant 0 : i32
    return %c0_i32, %c0_i32_0 : i32, i32
  }
  func.func @transform_3(%arg0: i32) -> (i32, i32) {
    %c0_i32 = arith.constant 0 : i32
    %c0_i32_0 = arith.constant 0 : i32
    %c0_i32_1 = arith.constant 0 : i32
    return %c0_i32, %c0_i32_0 : i32, i32
  }
  func.func @transform_4(%arg0: i32) -> (i32, i32) {
    %c0_i32 = arith.constant 0 : i32
    %c0_i32_0 = arith.constant 0 : i32
    %c0_i32_1 = arith.constant 0 : i32
    return %c0_i32, %c0_i32_0 : i32, i32
  }
  func.func @transform_5(%arg0: i32) -> (i32, i32) {
    %c0_i32 = arith.constant 0 : i32
    %c0_i32_0 = arith.constant 0 : i32
    %c0_i32_1 = arith.constant 0 : i32
    return %c0_i32, %c0_i32_0 : i32, i32
  }
  func.func @transform_6(%arg0: i32) -> (i32, i32) {
    %c0_i32 = arith.constant 0 : i32
    %c0_i32_0 = arith.constant 0 : i32
    %c0_i32_1 = arith.constant 0 : i32
    return %c0_i32, %c0_i32_0 : i32, i32
  }
  func.func @transform_7(%arg0: i32) -> (i32, i32) {
    %c0_i32 = arith.constant 0 : i32
    %c0_i32_0 = arith.constant 0 : i32
    %c0_i32_1 = arith.constant 0 : i32
    return %c0_i32, %c0_i32_0 : i32, i32
  }
  func.func @transform_8(%arg0: i32) -> (i32, i32) {
    %c0_i32 = arith.constant 0 : i32
    %c0_i32_0 = arith.constant 0 : i32
    %c0_i32_1 = arith.constant 0 : i32
    return %c0_i32, %c0_i32_0 : i32, i32
  }
  func.func @transform_9(%arg0: i32) -> (i32, i32) {
    %c0_i32 = arith.constant 0 : i32
    %c0_i32_0 = arith.constant 0 : i32
    return %arg0, %c0_i32 : i32, i32
  }
}

</mosaic_0001>

<sc_bundles>
// kernel: kernel.4.cloned.1.call-start
scs
__scs_entry_jumppad:
0x0: {  	(pc) =	sbr.rel $0x88, $3  }
0x1: {  	(tag) =	ssettag $0x0;
	lr =	simm.s32 $0x1  }
0x2: {  	[smem:$0x3F94] =	sst lr;
	_ =	strace $0xD0000000  }
0x3: {  	_ = 	snop  }
0x4: {  	_ = 	snop  }
0x5: {  	_ = 	snop  }
0x6: {  	_ = 	snop  }
0x7: {  	_ = 	snop  }
__scs_overlays_trampoline_lowered:
0x8: {  	[smem:$0x3FA3] =	sst s0  }
0x9: {  	[smem:$0x3FA4] =	sst s1  }
0xa: {  	[smem:$0x3FA5] =	sst s2  }
0xb: {  	[smem:$0x3FA6] =	sst s3  }
0xc: {  	[smem:$0x3FA7] =	sst s4  }
0xd: {  	[smem:$0x3FA8] =	sst s5  }
0xe: {  	[smem:$0x3FA9] =	sst s6  }
0xf: {  	[smem:$0x3FAA] =	sst s7  }
0x10: {  	[smem:$0x3FAB] =	sst s8  }
0x11: {  	[smem:$0x3FAC] =	sst s9;
	s0 =	simm.s32 @!p0 $0x0  }
0x12: {  	s1 =	sld [smem:$0x3F92];
	s0 =	simm.s32 @p0 $0x1  }
0x13: {  	[smem:$0x3FAD] =	sst s0;
	s0 =	simm.s32 @!p1 $0x0  }
0x14: {  	s2 =	sld [smem:$0x3F91];
	s0 =	simm.s32 @p1 $0x1  }
0x15: {  	[smem:$0x3FAE] =	sst s0;
	s0 =	simm.s32 @!p2 $0x0  }
0x16: {  	s3 =	sld [smem:$0x3FDB];
	s0 =	simm.s32 @p2 $0x1  }
0x17: {  	s4 =	simm.s32 $0x1BF5;
	[smem:$0x3FB0] =	sst s0  }
0x18: {  	s0 =	sld [smem:$0x3F93];
	_ =	swait.ge [sflag:s4], $0x0  }
0x19: {  	s7 =	sld [smem:$0x3F94]  }
0x1a: {  	s8 =	sadd.s32 $0xFFFFE003, lr  }
0x1b: {  	s9 =	sadd.s32 $0xFFFFFEF7, lr;
	s5 =	simm.s32 $0xFFFFFFFF;
	p2 =	slt.u32 s8, $0xFFFFF086  }
0x1c: {  	p1 =	slt.u32 s9, $0xF7A;
	s5 =	simm.s32 @!p2 $0x0  }
0x1d: {  	s5 =	simm.s32 @p1 $0x1;
	p0 =	seq.s32 s7, s2  }
0x1e: {  	s7 =	smul.u32 @!p0 $0xF7A, s2;
	p2 =	seq.s32 @!p0 s5, $0x0  }
0x1f: {  	s9 =	smul.u32 $0xF7A, s1;
	s8 =	simm.s32 @!p0 $0x1BF5;
	p2 =	por !p2, p0  }
0x20: {  	[sflag:s8] =	ssyncset.s32 @!p0 $0xFFFFF086;
	s6 =	sadd.s32 @!p0 s3, s7;
	s7 =	simm.s32 @!p0 $0x108  }
0x21: {  	s3 =	sadd.s32 s3, s9;
	s6 =	sadd.s32 @!p0 $0x88, s6;
	s7 =	simm.s32 @p2 $0x1082  }
0x22: {  	[simem:s7], [sflag:s8] =	dma.local @!p0 [hbm:s6], $0xF7A  }
0x23: {  	s9 =	sor.u32 $0xD0000000, s2;
	s6 =	simm.s32 $0x108;
	_ =	swait.ge @!p0 [sflag:s8], $0x0  }
0x24: {  	s3 =	sadd.s32 $0x88, s3;
	s6 =	simm.s32 @!p1 $0x1082;
	[sflag:s4] =	ssyncset.s32 $0xFFFFF086  }
0x25: {  	[simem:s6], [sflag:s4] =	dma.local [hbm:s3], $0xF7A  }
0x26: {  	[smem:$0x3F94] =	sst s1;
	(tag) =	ssettag s2;
	_ =	strace s9  }
0x27: {  	s1 =	sld [smem:$0x3FA4]  }
0x28: {  	s2 =	sld [smem:$0x3FA5]  }
0x29: {  	s4 =	sld [smem:$0x3FA7]  }
0x2a: {  	p0 =	seq.s32 s5, $0x0;
	s5 =	sld [smem:$0x3FA8]  }
0x2b: {  	s6 =	sld [smem:$0x3FA9]  }
0x2c: {  	s7 =	sld [smem:$0x3FAA]  }
0x2d: {  	s3 =	simm.s32 $0x108;
	s8 =	sld [smem:$0x3FAB]  }
0x2e: {  	s3 =	simm.s32 @!p0 $0x1082;
	s9 =	sld [smem:$0x3FAC]  }
0x2f: {  	lr =	sadd.s32 s0, s3;
	s0 =	sld [smem:$0x3FA3]  }
0x30: {  	s3 =	sld [smem:$0x3FA6]  }
0x31: {  	[smem:$0x3FAF] =	sst s10  }
0x32: {  	s10 =	sld [smem:$0x3FAD];
	_ =	sdelay $0x3  }
0x33: {  	p0 =	seq.s32 s10, $0x1;
	s10 =	sld [smem:$0x3FAF];
	_ =	sdelay $0x3  }
0x34: {  	[smem:$0x3FAF] =	sst s10  }
0x35: {  	s10 =	sld [smem:$0x3FAE];
	_ =	sdelay $0x3  }
0x36: {  	p1 =	seq.s32 s10, $0x1;
	s10 =	sld [smem:$0x3FAF];
	_ =	sdelay $0x3  }
0x37: {  	[smem:$0x3FAF] =	sst s10  }
0x38: {  	s10 =	sld [smem:$0x3FB0]  }
0x39: {  	_ = 	snop;
	(pc) =	sbr.ind lr, $3  }
0x3a: {  	_ = 	snop  }
0x3b: {  	_ = 	snop  }
0x3c: {  	p2 =	seq.s32 s10, $0x1;
	s10 =	sld [smem:$0x3FAF]  }
0x3d: {  	_ =	shalt  }
0x3e: {  	_ =	shalt  }
0x3f: {  	_ =	shalt  }
0x40: {  	_ =	shalt  }
0x41: {  	_ =	shalt  }
0x42: {  	_ =	shalt  }
0x43: {  	_ =	shalt  }
0x44: {  	_ =	shalt  }
0x45: {  	_ =	shalt  }
0x46: {  	_ =	shalt  }
0x47: {  	_ =	shalt  }
0x48: {  	_ =	shalt  }
0x49: {  	_ =	shalt  }
0x4a: {  	_ =	shalt  }
0x4b: {  	_ =	shalt  }
0x4c: {  	_ =	shalt  }
0x4d: {  	_ =	shalt  }
0x4e: {  	_ =	shalt  }
0x4f: {  	_ =	shalt  }
0x50: {  	_ =	shalt  }
0x51: {  	_ =	shalt  }
0x52: {  	_ =	shalt  }
0x53: {  	_ =	shalt  }
0x54: {  	_ =	shalt  }
0x55: {  	_ =	shalt  }
0x56: {  	_ =	shalt  }
0x57: {  	_ =	shalt  }
0x58: {  	_ =	shalt  }
0x59: {  	_ =	shalt  }
0x5a: {  	_ =	shalt  }
0x5b: {  	_ =	shalt  }
0x5c: {  	_ =	shalt  }
0x5d: {  	_ =	shalt  }
0x5e: {  	_ =	shalt  }
0x5f: {  	_ =	shalt  }
0x60: {  	_ =	shalt  }
0x61: {  	_ =	shalt  }
0x62: {  	_ =	shalt  }
0x63: {  	_ =	shalt  }
0x64: {  	_ =	shalt  }
0x65: {  	_ =	shalt  }
0x66: {  	_ =	shalt  }
0x67: {  	_ =	shalt  }
0x68: {  	_ =	shalt  }
0x69: {  	_ =	shalt  }
0x6a: {  	_ =	shalt  }
0x6b: {  	_ =	shalt  }
0x6c: {  	_ =	shalt  }
0x6d: {  	_ =	shalt  }
0x6e: {  	_ =	shalt  }
0x6f: {  	_ =	shalt  }
0x70: {  	_ =	shalt  }
0x71: {  	_ =	shalt  }
0x72: {  	_ =	shalt  }
0x73: {  	_ =	shalt  }
0x74: {  	_ =	shalt  }
0x75: {  	_ =	shalt  }
0x76: {  	_ =	shalt  }
0x77: {  	_ =	shalt  }
0x78: {  	_ =	shalt  }
0x79: {  	_ =	shalt  }
0x7a: {  	_ =	shalt  }
0x7b: {  	_ =	shalt  }
0x7c: {  	_ =	shalt  }
0x7d: {  	_ =	shalt  }
0x7e: {  	_ =	shalt  }
0x7f: {  	_ =	shalt  }
0x80: {  	_ =	shalt  }
0x81: {  	_ =	shalt  }
0x82: {  	_ =	shalt  }
0x83: {  	_ =	shalt  }
0x84: {  	_ =	shalt  }
0x85: {  	_ =	shalt  }
0x86: {  	_ =	shalt  }
0x87: {  	_ =	shalt  }
.Lfunc_end0:
.L_simem_size_0:
called_computation.1_lowered:
.L_overlay_start_0:
0x88: {  	s2 =	sld [smem:$0x3FD9]  }
0x89: {  	s3 =	sld [smem:$0x3FFE];
	_ =	sdelay $0x1  }
0x8a: {  	s1 =	srdreg.scid  }
0x8b: {  	s0 =	sand.u32 $0x1, s1  }
0x8c: {  	s17 =	sshll.u32 s0, $0xA;
	s2 =	sadd.s32 s3, s2  }
0x8d: {  	s2 =	sadd.s32 s2, s17  }
0x8e: {  	[smem:$0x3FBB] =	sst s2  }
0x8f: {  	_ = 	snop  }
0x90: {  	s2 =	sld [smem:$0x3FBF];
	(tm) =	ssettm $0x1  }
0x91: {  	s18 =	sld [smem:$0x3FFB];
	_ =	sdelay $0x3  }
0x92: {  	_ =	strace s18  }
0x93: {  	s3 =	sld [smem:$0x3FFC];
	_ =	sdelay $0x3  }
0x94: {  	_ =	strace s3  }
0x95: {  	s3 =	sld [smem:$0x3FFD];
	_ =	sdelay $0x3  }
0x96: {  	_ =	strace s3  }
0x97: {  	_ =	strace $0x8FFFFFFF  }
0x98: {  	s19 =	sld [smem:$0x3FDB];
	_ =	sdelay $0x1  }
0x99: {  	s4 =	simm.s32 $_scs_section_size  }
0x9a: {  	s5 =	simm.s32 $_size__tile_overlayer_lowered;
	s6 =	simm.s32 $_tile_overlayer_lowered  }
0x9b: {  	s22 =	simm.s32 $0x1BFF;
	s21 =	sshll.u32 s6, $0x1;
	s3 =	sadd.s32 s4, s19  }
0x9c: {  	s7 =	simm.s32 $0x0;
	s20 =	sshll.u32 s5, $0x1;
	s5 =	sadd.s32 s21, s3  }
0x9d: {  	[timem:s7], [sflag:s22] =	dma.local [hbm:s5], s20  }
0x9e: {  	_ =	swait.ge [sflag:s22], s20  }
0x9f: {  	s4 =	ssub.s32 $0x0, s20;
	[sflag:s22] =	ssyncset.done $0x0  }
0xa0: {  	[sflag:s22] =	ssyncadd.s32 s4;
	_ =	sdelay $0x1  }
0xa1: {  	s23 =	simm.s32 $0x1B8B  }
0xa2: {  	_ =	swait.ge [sflag:s23], $0x1  }
0xa3: {  	[sflag:s23] =	ssyncset.done $0x0  }
0xa4: {  	s25 =	simm.s32 $0x1B8E;
	s24 =	sld [smem:$0x3FFE];
	[sflag:s23] =	ssyncadd.s32 $0xFFFFFFFF  }
0xa5: {  	s26 =	simm.s32 $execute0_lowered;
	[smem:$0x3FD2] =	sst s25  }
0xa6: {  	s5 =	sshll.u32 s26, $0x1;
	_ =	strace $0x80000046;
	[dreg:$0x1] =	wrdreg $0xFFFFFFFF  }
0xa7: {  	s28 =	simm.s32 $_size_execute0_lowered;
	s3 =	sadd.s32 s3, s5;
	[dreg:$0x0] =	wrdreg $0x0  }
0xa8: {  	s5 =	sshll.u32 s28, $0x1;
	[dreg:$0x2] =	wrdreg s3  }
0xa9: {  	[dreg:$0x3] =	wrdreg s5  }
0xaa: {  	[dreg:$0x4] =	wrdreg $0xC0  }
0xab: {  	_ =	task [dreg:s7], $0x5FFFF  }
0xac: {  	[dreg:$0x1] =	wrdreg $0xFFFFFFFF  }
0xad: {  	[dreg:$0x0] =	wrdreg $0x60  }
0xae: {  	[dreg:$0x2] =	wrdreg s24  }
0xaf: {  	[dreg:$0x3] =	wrdreg s2  }
0xb0: {  	[dreg:$0x4] =	wrdreg $0x9  }
0xb1: {  	_ =	task.clear_ibuf [dreg:s7], $0x5FFFF;
	_ =	strace $0x90000046  }
0xb2: {  	s29 =	simm.s32 $0x9;
	_ =	strace $0x80000048  }
0xb3: {  	_ =	swait.ge [sflag:s29], $0x1  }
0xb4: {  	[sflag:s29] =	ssyncadd.s32 $0xFFFFFFFF  }
0xb5: {  	_ =	strace $0x90000048  }
0xb6: {  	_ =	sfence  }
0xb7: {  	s30 =	sld [smem:$0x0];
	_ =	sdelay $0x2  }
0xb8: {  	s31 =	sshll.u32 s1, $0xD;
	s1 =	sshrl.u32 s1, $0x2  }
0xb9: {  	s3 =	sand.u32 $0x4000, s31;
	s1 =	sadd.s32 s1, s30  }
0xba: {  	s0 =	sor.u32 s3, s0;
	s1 =	sshll.u32 s1, $0x11  }
0xbb: {  	s0 =	sor.u32 s1, s0  }
0xbc: {  	s0 =	sadd.s32 $0x8F2B, s0  }
0xbd: {  	[sflag:s0] =	ssyncadd.remote.s32 $0x1  }
0xbe: {  	_ =	sfence.sel $0xFFFF  }
0xbf: {  	[dreg:$0x0] =	wrdreg $0xFFFFFFFF;
	(pc) =	sbr.abs _section_cstart, $3  }
0xc0: {  	[dreg:$0x1] =	wrdreg $0xFFFFFFFF  }
0xc1: {  	_ =	task.clear_ibuf [dreg:s7], $0x2FFFF;
	_ =	strace $0x9FFFFFFF  }
0xc2: {  	(tm) =	ssettm $0x7FFFFFFF  }
0xc3: {  	_ =	shalt  }
tec
execute0_lowered:
.L_overlay_start_1:
0x0: {  	(tag) =	ssettag $0x1  }
0x1: {  	s1 =	srdreg.scid;
	s4 =	rddreg [dreg:$0x0]  }
0x2: {  	s0 =	stileid.u32;
	s2 =	rddreg [dreg:$0x1]  }
0x3: {  	s3 =	simm.s32 $0x0;
	s11 =	simm.s32 $0x0;
	s5 =	sand.u32 $0x1, s1  }
0x4: {  	s28 =	sshll.u32 s0, $0x1;
	s1 =	rddreg [dreg:$0x2];
	s7 =	smul.u32 $0x32000, s0  }
0x5: {  	[smem:$0x7FF] =	sst s3;
	s6 =	sor.u32 s5, s28;
	s10 =	smul.u32 $0x19000, s5  }
0x6: {  	s8 =	ssub.s32 $0x2, s5;
	_ =	strace $0x80000047;
	s6 =	smul.u32 $0x380, s6  }
0x7: {  	s9 =	sshrl.u32 s8, $0x1;
	s30 =	sadd.s32 s7, s4;
	s7 =	simm.s32 $0x2  }
0x8: {  	s31 =	ssub.s32 s8, s9;
	s8 =	simm.s32 $0x80;
	s9 =	simm.s32 $0x1C00  }
0x9: {  	s29 =	sadd.s32 s6, s4;
	s5 =	smax.u32 s31, $0x1;
	s6 =	sadd.s32 s10, s30  }
0xa: {  	s10 =	simm.s32 $0x1;
	s4 =	sadd.s32 $0x2400, s29;
	s6 =	sadd.s32 $0x9400, s6  }
.LBB2_1:
0xb: {  	[tilespmem:s3], [sflag:$0x2] =	stream.linear.gather [hbm4b:s4+s3], $0x1900, $0x38;
	[tilespmem:$0x5C00] =	vst v63  }
0xc: {  	_ =	swait.ge [sflag:s7], $0x1900  }
0xd: {  	[sflag:s7] =	ssyncset.done $0x0  }
0xe: {  	s12 =	simm.s32 $0x0;
	[sflag:s7] =	ssyncadd.s32 $0xFFFFE700  }
0xf: {  	[tilespmem:s9], [sflag:$0x1] =	stream.indirect.gather [hbm4b:s2+s8], $0x80, s12, s8, $0xb8;
	[tilespmem:$0x5C00] =	vst v63  }
0x10: {  	_ =	swait.ge [sflag:s10], $0x4000  }
0x11: {  	[sflag:s10] =	ssyncset.done $0x0  }
0x12: {  	[sflag:s10] =	ssyncadd.s32 $0xFFFFC000  }
0x13: {  	[hbm4b:s6+s3] =	stream.linear.scatter [tilespmem:s9], [sflag:$0x2], $0x4000, $0x38;
	[tilespmem:$0x5C00] =	vst v63  }
0x14: {  	s13 =	simm.s32 $0x200;
	_ =	swait.ge [sflag:s7], $0x4000  }
0x15: {  	s14 =	simm.s32 $0x400;
	s12 =	sadd.s32 $0x800, s6;
	[sflag:s7] =	ssyncset.done $0x0  }
.LBB2_2:
0x16: {  	s15 =	sshra.s32 s13, $0x2  }
0x17: {  	[sflag:s7] =	ssyncadd.s32 $0xFFFFC000;
	s13 =	smov.u32 s14;
	s16 =	sadd.s32 $0x200, s14  }
0x18: {  	[tilespmem:s9], [sflag:$0x1] =	stream.indirect.gather [hbm4b:s2+s8], $0x80, s15, s8, $0xb8;
	[tilespmem:$0x5C00] =	vst v63  }
0x19: {  	p0 =	sne.s32 s14, $0x6200;
	_ =	swait.ge [sflag:s10], $0x4000  }
.Ltmp0:
0x1a: {  	[sflag:s10] =	ssyncset.done $0x0;
	(pc) =	sbr.rel @p0 .LBB2_2-.Ltmp0, $4  }
0x1b: {  	[sflag:s10] =	ssyncadd.s32 $0xFFFFC000  }
0x1c: {  	[hbm4b:s12+s3] =	stream.linear.scatter [tilespmem:s9], [sflag:$0x2], $0x4000, $0x38;
	[tilespmem:$0x5C00] =	vst v63  }
0x1d: {  	_ =	swait.ge [sflag:s7], $0x4000  }
0x1e: {  	s14 =	smov.u32 s16;
	s12 =	sadd.s32 $0x800, s12;
	[sflag:s7] =	ssyncset.done $0x0  }
0x1f: {  	s13 =	sshra.s32 s13, $0x2;
	[sflag:s7] =	ssyncadd.s32 $0xFFFFC000  }
0x20: {  	[tilespmem:s9], [sflag:$0x1] =	stream.indirect.gather [hbm4b:s2+s8], $0x80, s13, s8, $0xb8;
	[tilespmem:$0x5C00] =	vst v63  }
0x21: {  	s11 =	sadd.s32 $0x1, s11;
	_ =	swait.ge [sflag:s10], $0x4000  }
0x22: {  	p0 =	sne.s32 s11, s5;
	[sflag:s10] =	ssyncset.done $0x0  }
.Ltmp1:
0x23: {  	[sflag:s10] =	ssyncadd.s32 $0xFFFFC000;
	(pc) =	sbr.rel @p0 .LBB2_1-.Ltmp1, $4  }
0x24: {  	[hbm4b:s12+s3] =	stream.linear.scatter [tilespmem:s9], [sflag:$0x2], $0x4000, $0x38;
	[tilespmem:$0x5C00] =	vst v63  }
0x25: {  	_ =	swait.ge [sflag:s7], $0x4000  }
0x26: {  	[sflag:s7] =	ssyncset.done $0x0  }
0x27: {  	[sflag:s7] =	ssyncadd.s32 $0xFFFFC000  }
0x28: {  	_ =	sfence.sel $0x180000  }
0x29: {  	[bflag:$0x0] =	sbarrier.arrive $0xFFFF  }
0x2a: {  	p0 =	sne.s32 s0, $0x0;
	_ =	strace $0x90000047  }
0x2b: {  	s0 =	sadd.s32 @!p0 $0x100000, s1;
	[bflag:$0x2] =	sbarrier.arrive $0xFFFF  }
0x2c: {  	[sflag:s0] =	ssyncadd.tile.s32 @!p0 $0x1;
	_ =	shalt  }
.Lfunc_end2:
_tile_overlayer_lowered:
.L_overlay_start_2:
0x2d: {  	(tag) =	ssettag $0x2  }
0x2e: {  	s0 =	rddreg [dreg:$0x0];
	s2 =	stileid.u32  }
0x2f: {  	s1 =	rddreg [dreg:$0x1];
	p0 =	sne.s32 s2, $0x0  }
0x30: {  	s3 =	rddreg [dreg:$0x2];
	[bflag:$0x3] =	sbarrier.arrive $0xFFFF;
	s2 =	simm.s32 @!p0 $0x1C02  }
0x31: {  	[timem:s3], [sflag:s2] =	dma.local @!p0 [hbm:s0], s1  }
0x32: {  	s0 =	simm.s32 @!p0 $0x2  }
0x33: {  	_ =	swait.ge @!p0 [sflag:s0], s1  }
0x34: {  	s1 =	ssub.s32 @!p0 $0x0, s1;
	[sflag:s0] =	ssyncset.done @!p0 $0x0  }
0x35: {  	[sflag:s0] =	ssyncadd.s32 @!p0 s1  }
0x36: {  	[bflag:$0x3] =	sbarrier.arrive $0xFFFF  }
0x37: {  	_ =	shalt  }

// kernel: sparse-core-data-format-call.cloned.1.call-start
scs
called_computation_lowered:
.L_overlay_start_0:
0x0: {  	s2 =	sld [smem:$0x3FD9]  }
0x1: {  	s3 =	sld [smem:$0x3FFE];
	_ =	sdelay $0x1  }
0x2: {  	s1 =	srdreg.scid  }
0x3: {  	s0 =	sand.u32 $0x1, s1  }
0x4: {  	s18 =	sshll.u32 s0, $0xA;
	s2 =	sadd.s32 s3, s2  }
0x5: {  	s2 =	sadd.s32 s2, s18  }
0x6: {  	[smem:$0x3FBB] =	sst s2  }
0x7: {  	_ = 	snop  }
0x8: {  	s2 =	sld [smem:$0x3FD0];
	(tm) =	ssettm $0x1  }
0x9: {  	s19 =	sld [smem:$0x3FFB];
	_ =	sdelay $0x3  }
0xa: {  	_ =	strace s19  }
0xb: {  	s3 =	sld [smem:$0x3FFC];
	_ =	sdelay $0x3  }
0xc: {  	_ =	strace s3  }
0xd: {  	s3 =	sld [smem:$0x3FFD];
	_ =	sdelay $0x3  }
0xe: {  	_ =	strace s3  }
0xf: {  	_ =	strace $0x8FFFFFFF  }
0x10: {  	s20 =	sld [smem:$0x3FDB];
	_ =	sdelay $0x1  }
0x11: {  	s4 =	simm.s32 $_scs_section_size  }
0x12: {  	s5 =	simm.s32 $_size__tile_overlayer_lowered;
	s6 =	simm.s32 $_tile_overlayer_lowered  }
0x13: {  	s23 =	simm.s32 $0x1BFF;
	s22 =	sshll.u32 s6, $0x1;
	s3 =	sadd.s32 s4, s20  }
0x14: {  	s7 =	simm.s32 $0x0;
	s21 =	sshll.u32 s5, $0x1;
	s5 =	sadd.s32 s22, s3  }
0x15: {  	[timem:s7], [sflag:s23] =	dma.local [hbm:s5], s21  }
0x16: {  	_ =	swait.ge [sflag:s23], s21  }
0x17: {  	s4 =	ssub.s32 $0x0, s21;
	[sflag:s23] =	ssyncset.done $0x0  }
0x18: {  	[sflag:s23] =	ssyncadd.s32 s4;
	_ =	sdelay $0x1  }
0x19: {  	s24 =	simm.s32 $0x1B8B  }
0x1a: {  	_ =	swait.ge [sflag:s24], $0x1  }
0x1b: {  	[sflag:s24] =	ssyncset.done $0x0  }
0x1c: {  	s26 =	simm.s32 $0x1B8E;
	s25 =	sld [smem:$0x3FFE];
	[sflag:s24] =	ssyncadd.s32 $0xFFFFFFFF  }
0x1d: {  	s27 =	simm.s32 $execute0_lowered;
	[smem:$0x3FD2] =	sst s26  }
0x1e: {  	s5 =	sshll.u32 s27, $0x1;
	_ =	strace $0x80000049;
	[dreg:$0x1] =	wrdreg $0xFFFFFFFF  }
0x1f: {  	s28 =	simm.s32 $_size_execute0_lowered;
	s3 =	sadd.s32 s3, s5;
	[dreg:$0x0] =	wrdreg $0x0  }
0x20: {  	s5 =	sshll.u32 s28, $0x1;
	[dreg:$0x2] =	wrdreg s3  }
0x21: {  	[dreg:$0x3] =	wrdreg s5  }
0x22: {  	[dreg:$0x4] =	wrdreg $0xC0  }
0x23: {  	_ =	task [dreg:s7], $0x5FFFF  }
0x24: {  	[dreg:$0x1] =	wrdreg $0xFFFFFFFF  }
0x25: {  	[dreg:$0x0] =	wrdreg $0x60  }
0x26: {  	[dreg:$0x2] =	wrdreg s25  }
0x27: {  	[dreg:$0x3] =	wrdreg s2  }
0x28: {  	[dreg:$0x4] =	wrdreg $0x9  }
0x29: {  	_ =	task.clear_ibuf [dreg:s7], $0x5FFFF;
	_ =	strace $0x90000049  }
0x2a: {  	s29 =	simm.s32 $0x9;
	_ =	strace $0x8000004B  }
0x2b: {  	_ =	swait.ge [sflag:s29], $0x1  }
0x2c: {  	[sflag:s29] =	ssyncadd.s32 $0xFFFFFFFF  }
0x2d: {  	_ =	strace $0x9000004B  }
0x2e: {  	_ =	sfence  }
0x2f: {  	s30 =	sld [smem:$0x0];
	_ =	sdelay $0x2  }
0x30: {  	s31 =	sshll.u32 s1, $0xD;
	s1 =	sshrl.u32 s1, $0x2  }
0x31: {  	s3 =	sand.u32 $0x4000, s31;
	s1 =	sadd.s32 s1, s30  }
0x32: {  	s0 =	sor.u32 s3, s0;
	s1 =	sshll.u32 s1, $0x11  }
0x33: {  	s0 =	sor.u32 s1, s0  }
0x34: {  	s0 =	sadd.s32 $0x8F2B, s0  }
0x35: {  	[sflag:s0] =	ssyncadd.remote.s32 $0x1  }
0x36: {  	_ =	sfence.sel $0xFFFF  }
0x37: {  	[dreg:$0x0] =	wrdreg $0xFFFFFFFF;
	(pc) =	sbr.abs _section_cstart, $3  }
0x38: {  	[dreg:$0x1] =	wrdreg $0xFFFFFFFF  }
0x39: {  	_ =	task.clear_ibuf [dreg:s7], $0x2FFFF;
	_ =	strace $0x9FFFFFFF  }
0x3a: {  	(tm) =	ssettm $0x7FFFFFFF  }
0x3b: {  	_ =	shalt  }
tec
execute0_lowered:
.L_overlay_start_1:
0x0: {  	(tag) =	ssettag $0x1  }
0x1: {  	s0 =	srdreg.scid  }
0x2: {  	s1 =	sshll.u32 s0, $0x4  }
0x3: {  	s0 =	stileid.u32;
	s1 =	sand.u32 $0x10, s1  }
0x4: {  	s1 =	sor.u32 s0, s1  }
0x5: {  	s6 =	rddreg [dreg:$0x0];
	s4 =	simm.s32 $0x1;
	s2 =	sshll.u32 s1, $0x6  }
0x6: {  	s7 =	simm.s32 $0x2;
	s13 =	simm.s32 $0x0;
	s1 =	ssub.s32 $0x1000, s2  }
0x7: {  	s8 =	simm.s32 $0x2000;
	s9 =	simm.s32 $0x80000;
	s3 =	sand.u32 $0x7C0, s1  }
0x8: {  	s14 =	simm.s32 $0x0;
	s5 =	sshrl.u32 s1, $0xB;
	p0 =	sne.s32 s3, $0x0  }
.Ltmp0:
0x9: {  	s1 =	rddreg [dreg:$0x2];
	s4 =	simm.s32 @!p0 $0x0;
	(pc) =	sbr.rel .LBB1_1-.Ltmp0, $4  }
0xa: {  	s10 =	simm.s32 $0x0;
	s3 =	rddreg [dreg:$0x1];
	s5 =	sadd.s32 s4, s5  }
0xb: {  	_ =	strace $0x8000004A;
	s4 =	simm.s32 $0x1;
	s5 =	smul.u32 $0x19, s5  }
0xc: {  	s12 =	simm.s32 $0x0;
	s6 =	sadd.s32 $0x649400, s6;
	[sflag:s4] =	ssyncpa.u1 $0x0  }
0xd: {  	s11 =	smov.u32 s2;
	[sflag:s7] =	ssyncpa.u1 $0x0;
	s7 =	sadd.s32 $0x1, s5  }
.LBB1_7:
0xe: {  	s15 =	sadd.s32 $0x2, s10  }
0xf: {  	s13 =	sadd.s32 $0x800, s11;
	s17 =	smov.u32 s11;
	p1 =	sgt.s32 s15, $0x31  }
0x10: {  	s17 =	smov.u32 @p1 s13  }
0x11: {  	s15 =	simm.s32 @p1 $0x0;
	p1 =	sgt.s32 s17, $0xFFF  }
0x12: {  	s17 =	smov.u32 @p1 s2;
	p1 =	sne.s32 s12, s7  }
.Ltmp1:
0x13: {  	p0 =	slt.u32 s12, $0x2;
	(pc) =	sbr.rel @!p1 .LBB1_8-.Ltmp1, $4  }
0x14: {  	s16 =	simm.s32 @!p0 $0x2  }
0x15: {  	s14 =	smov.u32 s11;
	_ =	swait.ge @!p0 [sflag:s16], $0x4000  }
0x16: {  	s13 =	smov.u32 s10;
	[sflag:s16] =	ssyncset.done @!p0 $0x0;
	s10 =	smov.u32 s15  }
0x17: {  	s12 =	sadd.s32 $0x1, s12;
	[sflag:s16] =	ssyncadd.s32 @!p0 $0xFFFFC000;
	s11 =	smov.u32 s17  }
.LBB1_1:
0x18: {  	p0 =	sge.u32 s12, s5  }
0x19: {  	s15 =	sand.u32 @!p0 $0x1FFFFFF, s10  }
0x1a: {  	s16 =	smulhi.u32 @!p0 $0x4924925, s15;
	_ =	sdelay $0x1  }
0x1b: {  	s16 =	smul.u32 @!p0 $0x38, s16  }
0x1c: {  	s17 =	sxor.u32 @!p0 $0xFFFFFFFF, s12;
	s18 =	smul.u32 @!p0 $0x380, s11  }
0x1d: {  	s31 =	sadd.s32 $0xFFFFFFFF, s12;
	s17 =	sshll.u32 @!p0 s17, $0xE;
	s15 =	ssub.s32 @!p0 s15, s16  }
0x1e: {  	s16 =	sand.u32 @!p0 $0x4000, s17;
	s17 =	sadd.s32 @!p0 s6, s18;
	s15 =	sshll.u32 @!p0 s15, $0x4  }
0x1f: {  	s18 =	simm.s32 @!p0 $0x1C00;
	s15 =	sadd.s32 @!p0 s15, s17;
	s17 =	simm.s32 @!p0 $0x100  }
0x20: {  	[tilespmem:s16], [sflag:$0x1] =	stream.strided.gather @!p0 [hbm4b:s15+s17], $0x4000, s18, s17, $0x38;
	[tilespmem:$0x10000] =	vst v63  }
0x21: {  	p0 =	sge.u32 s31, s5  }
.Ltmp2:
0x22: {  	_ = 	snop;
	(pc) =	sbr.rel @p0 .LBB1_7-.Ltmp2, $1  }
0x23: {  	_ =	sdelay $0x3  }
0x24: {  	_ =	swait.ge [sflag:s4], $0x4000;
	s15 =	sshll.u32 s12, $0xE  }
0x25: {  	[sflag:s4] =	ssyncset.done $0x0;
	s16 =	sand.u32 $0x4000, s15  }
0x26: {  	s17 =	simm.s32 $0x0;
	[sflag:s4] =	ssyncadd.s32 $0xFFFFC000;
	s15 =	sor.u32 $0x8000, s16  }
.LBB1_3:
0x27: {  	s18 =	sshll.u32 s17, $0x8  }
0x28: {  	s18 =	sand.u32 $0x3FFFFF00, s18  }
0x29: {  	s19 =	sshll.u32 s17, $0x7;
	s18 =	sadd.s32 s18, s16  }
0x2a: {  	s19 =	sand.u32 $0x3FFFFF80, s19;
	v0 =	vmov s18  }
0x2b: {  	s19 =	sadd.s32 s19, s15  }
0x2c: {  	p0 =	por $0x1, $0x1;
	v1 =	vmov s19;
	s18 =	simm.s32 $0x0  }
.LBB1_4:
0x2d: {  	s19 =	sshll.u32 s18, $0x7  }
0x2e: {  	s19 =	sand.u32 $0x3FFFFF80, s19  }
0x2f: {  	v2 =	vld.idx.msk [tilespmem:v0+s19+$0x0 ss:$0x1], $0xffff  }
0x30: {  	v3 =	vld.idx.msk [tilespmem:v0+s19+$0x10 ss:$0x1], $0xffff  }
0x31: {  	v4 =	vld.idx.msk [tilespmem:v0+s19+$0x20 ss:$0x1], $0xffff  }
0x32: {  	s31 =	sshll.u32 s18, $0xD;
	v5 =	vld.idx.msk [tilespmem:v0+s19+$0x30 ss:$0x1], $0xffff  }
0x33: {  	s18 =	sand.u32 $0x3FFFE000, s31;
	v6 =	vld.idx.msk [tilespmem:v0+s19+$0x40 ss:$0x1], $0xffff  }
0x34: {  	v63 =	vld.idx.msk [tilespmem:v0+s19+$0x70 ss:$0x1], $0xffff;
	[tilespmem:v1+s18+$0x0 ss:$0x1] =	vst.idx.msk $0xffff, v2  }
0x35: {  	v2 =	vld.idx.msk [tilespmem:v0+s19+$0x50 ss:$0x1], $0xffff;
	[tilespmem:v1+s18+$0x10 ss:$0x1] =	vst.idx.msk $0xffff, v3  }
0x36: {  	p1 =	por p0, p0;
	v3 =	vld.idx.msk [tilespmem:v0+s19+$0x60 ss:$0x1], $0xffff;
	[tilespmem:v1+s18+$0x20 ss:$0x1] =	vst.idx.msk $0xffff, v4  }
.Ltmp3:
0x37: {  	[tilespmem:v1+s18+$0x30 ss:$0x1] =	vst.idx.msk $0xffff, v5;
	(pc) =	sbr.rel @p1 .LBB1_4-.Ltmp3, $4  }
0x38: {  	[tilespmem:v1+s18+$0x40 ss:$0x1] =	vst.idx.msk $0xffff, v6  }
0x39: {  	[tilespmem:v1+s18+$0x70 ss:$0x1] =	vst.idx.msk $0xffff, v63  }
0x3a: {  	[tilespmem:v1+s18+$0x50 ss:$0x1] =	vst.idx.msk $0xffff, v2  }
0x3b: {  	p0 =	por $0x0, $0x0;
	[tilespmem:v1+s18+$0x60 ss:$0x1] =	vst.idx.msk $0xffff, v3;
	s18 =	simm.s32 $0x1  }
0x3c: {  	s17 =	sadd.s32 $0x1, s17  }
0x3d: {  	p0 =	sne.s32 s17, $0x40  }
.Ltmp4:
0x3e: {  	_ = 	snop;
	(pc) =	sbr.rel @p0 .LBB1_3-.Ltmp4, $1  }
0x3f: {  	_ =	sdelay $0x3  }
.Ltmp5:
0x40: {  	s14 =	sshll.u32 s14, $0x4;
	(pc) =	sbr.rel .LBB1_7-.Ltmp5, $4  }
0x41: {  	s14 =	sand.u32 $0xFFF0, s14  }
0x42: {  	s13 =	sshll.u32 s13, $0x10;
	s14 =	sadd.s32 s3, s14  }
0x43: {  	s13 =	sadd.s32 s13, s14  }
0x44: {  	[hbm4b:s13+s8] =	stream.strided.scatter [tilespmem:s15], [sflag:$0x2], $0x4000, s9, s8, $0x38;
	[tilespmem:$0x10000] =	vst v63  }
.LBB1_8:
0x45: {  	_ =	sfence.sel $0x180000  }
0x46: {  	s2 =	simm.s32 $0x1;
	[bflag:$0x0] =	sbarrier.arrive $0xFFFF  }
0x47: {  	s31 =	simm.s32 $0x2;
	[sflag:s2] =	ssyncpa.u1 $0x1  }
0x48: {  	[sflag:s31] =	ssyncpa.u1 $0x1  }
0x49: {  	p0 =	sne.s32 s0, $0x0;
	_ =	strace $0x9000004A  }
0x4a: {  	s0 =	sadd.s32 @!p0 $0x100000, s1;
	[bflag:$0x2] =	sbarrier.arrive $0xFFFF  }
0x4b: {  	[sflag:s0] =	ssyncadd.tile.s32 @!p0 $0x1;
	_ =	shalt  }
.Lfunc_end1:
_tile_overlayer_lowered:
.L_overlay_start_2:
0x4c: {  	(tag) =	ssettag $0x2  }
0x4d: {  	s0 =	rddreg [dreg:$0x0];
	s2 =	stileid.u32  }
0x4e: {  	s1 =	rddreg [dreg:$0x1];
	p0 =	sne.s32 s2, $0x0  }
0x4f: {  	s3 =	rddreg [dreg:$0x2];
	[bflag:$0x3] =	sbarrier.arrive $0xFFFF;
	s2 =	simm.s32 @!p0 $0x1C01  }
0x50: {  	[timem:s3], [sflag:s2] =	dma.local @!p0 [hbm:s0], s1  }
0x51: {  	s0 =	simm.s32 @!p0 $0x1  }
0x52: {  	_ =	swait.ge @!p0 [sflag:s0], s1  }
0x53: {  	s1 =	ssub.s32 @!p0 $0x0, s1;
	[sflag:s0] =	ssyncset.done @!p0 $0x0  }
0x54: {  	[sflag:s0] =	ssyncadd.s32 @!p0 s1  }
0x55: {  	[bflag:$0x3] =	sbarrier.arrive $0xFFFF  }
0x56: {  	_ =	shalt  }

</sc_bundles>
